<compile_context>
chip_gen: v7x
topology: tpu7x:2x2x1
jax: 0.10.2.dev20260603
libtpu: 0.0.44.dev20260713+nightly
codegen_flags: <defaults>
</compile_context>

<pallas_src>
import jax
import jax.numpy as jnp
from jax import lax
from jax.experimental import pallas as pl
from jax.experimental.pallas import tpu as pltpu
from jax.experimental.pallas import tpu_sc as plsc

N = 100000
NC = 2
NS = 16
NW = NC * NS
LANES = 16

CHUNK = 3136
TAIL = N - (NW - 1) * CHUNK
assert TAIL > 0 and TAIL % LANES == 0 and CHUNK % LANES == 0


def _body(x_hbm, s_hbm, b_hbm, out_hbm, xv, sv, bv):
    wid = lax.axis_index("s") * NC + lax.axis_index("c")
    pltpu.sync_copy(s_hbm, sv)
    pltpu.sync_copy(b_hbm, bv)
    s = sv[...]
    b = bv[...]

    def run(base, size):
        pltpu.sync_copy(x_hbm.at[pl.ds(base, size)], xv.at[pl.ds(0, size)])

        def step(j, carry):
            sl = pl.ds(j * LANES, LANES)
            xv[sl] = s * xv[sl] + b
            return carry

        lax.fori_loop(0, size // LANES, step, 0)
        pltpu.sync_copy(xv.at[pl.ds(0, size)], out_hbm.at[pl.ds(base, size)])

    @pl.when(wid < NW - 1)
    def _():
        run(wid * CHUNK, CHUNK)

    @pl.when(wid == NW - 1)
    def _():
        run((NW - 1) * CHUNK, TAIL)


@jax.jit
def _scale_shift(x, s16, b16):
    kern = pl.kernel(
        _body,
        out_type=jax.ShapeDtypeStruct((N,), jnp.float32),
        mesh=plsc.VectorSubcoreMesh(core_axis_name="c", subcore_axis_name="s"),
        scratch_types=[
            pltpu.VMEM((CHUNK,), jnp.float32),
            pltpu.VMEM((LANES,), jnp.float32),
            pltpu.VMEM((LANES,), jnp.float32),
        ],
    )
    return kern(x, s16, b16)


def kernel(x, head, scale, shift):
    s16 = jnp.broadcast_to(jnp.reshape(scale, (1,)), (LANES,))
    b16 = jnp.broadcast_to(jnp.reshape(shift, (1,)), (LANES,))
    return _scale_shift(x, s16, b16)

# --- scband reference (transcript-rebuilt; emitter-appended) ---
"""Pipeline reference for scband-scale-shift-block-21766894256497 (READ-ONLY COPY).

The authoritative reference and input builder live on the scoring server;
editing this copy changes nothing except your own understanding.
"""

import jax, jax.numpy as jnp
import numpy as np

SCALE = 0.8037
SHIFT = -0.2051
N = 100000

def setup_inputs(seed: int = 0) -> dict:
    key = jax.random.key(seed)
    k1, k2 = jax.random.split(key)
    x = jax.random.normal(k1, (N,), dtype=jnp.float32)
    # scale/shift are scalars -> atleast_1d gives shape [1], so head must be 0
    head = jax.random.randint(k2, (N,), 0, 1, dtype=jnp.int32)
    scale = jnp.asarray(SCALE, dtype=jnp.float32)
    shift = jnp.asarray(SHIFT, dtype=jnp.float32)
    return {"x": x, "head": head, "scale": scale, "shift": shift}

def reference(x, head, scale, shift):
    # torch.atleast_1d(self.scale)[head] * x + torch.atleast_1d(self.shift)[head]
    s = jnp.atleast_1d(scale)
    b = jnp.atleast_1d(shift)
    return jnp.take(s, head, axis=0) * x + jnp.take(b, head, axis=0)

if __name__ == "__main__":
    import jax
    _d = setup_inputs()
    print(jax.jit(kernel)(*tuple(_d.values())))

</pallas_src>

<mosaic_0001>
#map = affine_map<(d0, d1) -> (0)>
module attributes {stable_mosaic.version = 14 : i64} {
  func.func @_body(%arg0: i32, %arg1: i32, %arg2: memref<100000xf32, #tpu.memory_space<hbm>>, %arg3: memref<16xf32, #tpu.memory_space<hbm>>, %arg4: memref<16xf32, #tpu.memory_space<hbm>>, %arg5: memref<100000xf32, #tpu.memory_space<hbm>>, %arg6: memref<3136xf32, #tpu.memory_space<vmem>>, %arg7: memref<16xf32, #tpu.memory_space<vmem>>, %arg8: memref<16xf32, #tpu.memory_space<vmem>>) attributes {dimension_semantics = [#tpu.dimension_semantics<core_parallel>, #tpu.dimension_semantics<subcore_parallel>], iteration_bounds = array<i64: 2, 16>, scalar_prefetch = 0 : i64, scratch_operands = 3 : i64, tpu.core_type = #tpu.core_type<sc_vector_subcore>, window_params = [{transform_indices = #map}, {transform_indices = #map}, {transform_indices = #map}, {transform_indices = #map}]} {
    %mul3A = arith.constant 2 : i32
    %mul3A_0 = arith.muli %arg1, %mul3A : i32
    %add3A = arith.addi %mul3A_0, %arg0 : i32
    "tpu.region"() ({
      %run_scoped3A = tpu.sem_alloc : memref<!tpu.dma_semaphore, #tpu.memory_space<semaphore_mem>>
      tpu.enqueue_dma source(%arg3 : memref<16xf32, #tpu.memory_space<hbm>>) target(%arg7 : memref<16xf32, #tpu.memory_space<vmem>>) target_semaphore(%run_scoped3A : memref<!tpu.dma_semaphore, #tpu.memory_space<semaphore_mem>>)
      tpu.wait_dma2 semaphore(%run_scoped3A : memref<!tpu.dma_semaphore, #tpu.memory_space<semaphore_mem>>) src(%arg3 : memref<16xf32, #tpu.memory_space<hbm>>) dst(%arg7 : memref<16xf32, #tpu.memory_space<vmem>>)
      tpu.yield
    }) : () -> ()
    "tpu.region"() ({
      %run_scoped3A = tpu.sem_alloc : memref<!tpu.dma_semaphore, #tpu.memory_space<semaphore_mem>>
      tpu.enqueue_dma source(%arg4 : memref<16xf32, #tpu.memory_space<hbm>>) target(%arg8 : memref<16xf32, #tpu.memory_space<vmem>>) target_semaphore(%run_scoped3A : memref<!tpu.dma_semaphore, #tpu.memory_space<semaphore_mem>>)
      tpu.wait_dma2 semaphore(%run_scoped3A : memref<!tpu.dma_semaphore, #tpu.memory_space<semaphore_mem>>) src(%arg4 : memref<16xf32, #tpu.memory_space<hbm>>) dst(%arg8 : memref<16xf32, #tpu.memory_space<vmem>>)
      tpu.yield
    }) : () -> ()
    %get3A = arith.constant 0 : index
    %get3A_1 = tpu.vector_load %arg7[%get3A] {strides = array<i32>} : memref<16xf32, #tpu.memory_space<vmem>>, vector<16xf32>,
    %get3A_2 = vector.shape_cast %get3A_1 : vector<16xf32> to vector<16xf32>
    %get3A_3 = arith.constant 0 : index
    %get3A_4 = tpu.vector_load %arg8[%get3A_3] {strides = array<i32>} : memref<16xf32, #tpu.memory_space<vmem>>, vector<16xf32>,
    %get3A_5 = vector.shape_cast %get3A_4 : vector<16xf32> to vector<16xf32>
    %lt3A = arith.constant 31 : i32
    %lt3A_6 = arith.cmpi slt, %add3A, %lt3A : i32
    %convert_element_type3A = arith.extui %lt3A_6 : i1 to i32
    %cond3A = arith.constant 0 : i32
    %cond3A_7 = arith.cmpi ne, %convert_element_type3A, %cond3A : i32
    scf.if %cond3A_7 {
      %mul3A_12 = arith.constant 3136 : i32
      %mul3A_13 = arith.muli %add3A, %mul3A_12 : i32
      "tpu.region"() ({
        %run_scoped3A = tpu.sem_alloc : memref<!tpu.dma_semaphore, #tpu.memory_space<semaphore_mem>>
        %dma_start3A = arith.constant 0 : i32
        %dma_start3A_19 = tpu.memref_slice %arg6[%dma_start3A] : memref<3136xf32, #tpu.memory_space<vmem>> -> memref<3136xf32, #tpu.memory_space<vmem>>
        %dma_start3A_20 = tpu.memref_slice %arg2[%mul3A_13] : memref<100000xf32, #tpu.memory_space<hbm>> -> memref<3136xf32, #tpu.memory_space<hbm>>
        %dma_start3A_21 = arith.constant 0 : i32
        %dma_start3A_22 = tpu.memref_slice %arg6[%dma_start3A_21] : memref<3136xf32, #tpu.memory_space<vmem>> -> memref<3136xf32, #tpu.memory_space<vmem>>
        %dma_start3A_23 = tpu.memref_slice %arg2[%mul3A_13] : memref<100000xf32, #tpu.memory_space<hbm>> -> memref<3136xf32, #tpu.memory_space<hbm>>
        tpu.enqueue_dma source(%dma_start3A_23 : memref<3136xf32, #tpu.memory_space<hbm>>) target(%dma_start3A_22 : memref<3136xf32, #tpu.memory_space<vmem>>) target_semaphore(%run_scoped3A : memref<!tpu.dma_semaphore, #tpu.memory_space<semaphore_mem>>)
        %dma_wait3A = arith.constant 0 : i32
        %dma_wait3A_24 = tpu.memref_slice %arg6[%dma_wait3A] : memref<3136xf32, #tpu.memory_space<vmem>> -> memref<3136xf32, #tpu.memory_space<vmem>>
        %dma_wait3A_25 = tpu.memref_slice %arg2[%mul3A_13] : memref<100000xf32, #tpu.memory_space<hbm>> -> memref<3136xf32, #tpu.memory_space<hbm>>
        %dma_wait3A_26 = arith.constant 0 : i32
        %dma_wait3A_27 = tpu.memref_slice %arg6[%dma_wait3A_26] : memref<3136xf32, #tpu.memory_space<vmem>> -> memref<3136xf32, #tpu.memory_space<vmem>>
        %dma_wait3A_28 = tpu.memref_slice %arg2[%mul3A_13] : memref<100000xf32, #tpu.memory_space<hbm>> -> memref<3136xf32, #tpu.memory_space<hbm>>
        tpu.wait_dma2 semaphore(%run_scoped3A : memref<!tpu.dma_semaphore, #tpu.memory_space<semaphore_mem>>) src(%dma_wait3A_28 : memref<3136xf32, #tpu.memory_space<hbm>>) dst(%dma_wait3A_27 : memref<3136xf32, #tpu.memory_space<vmem>>)
        tpu.yield
      }) : () -> ()
      %scan3A = arith.constant 0 : i32
      %scan3A_14 = arith.constant 0 : i32
      %scan3A_15 = arith.constant 196 : i32
      %scan3A_16 = arith.addi %scan3A_14, %scan3A_15 : i32
      %scan3A_17 = arith.constant 1 : i32
      scf.for %scan3A_19 = %scan3A_14 to %scan3A_16 step %scan3A_17  : i32 {
        %mul3A_20 = arith.constant 16 : i32
        %mul3A_21 = arith.muli %scan3A_19, %mul3A_20 : i32
        %get3A_22 = arith.index_cast %mul3A_21 : i32 to index
        %get3A_23 = tpu.vector_load %arg6[%get3A_22] {strides = array<i32>} : memref<3136xf32, #tpu.memory_space<vmem>>, vector<16xf32>,
        %get3A_24 = vector.shape_cast %get3A_23 : vector<16xf32> to vector<16xf32>
        %mul3A_25 = arith.mulf %get3A_2, %get3A_24 : vector<16xf32>
        %add3A_26 = arith.addf %mul3A_25, %get3A_5 : vector<16xf32>
        %swap3A = arith.index_cast %mul3A_21 : i32 to index
        %swap3A_27 = tpu.vector_load %arg6[%swap3A] {strides = array<i32>} : memref<3136xf32, #tpu.memory_space<vmem>>, vector<16xf32>,
        %swap3A_28 = vector.shape_cast %swap3A_27 : vector<16xf32> to vector<16xf32>
        %swap3A_29 = vector.shape_cast %add3A_26 : vector<16xf32> to vector<16xf32>
        tpu.vector_store %arg6[%swap3A], %swap3A_29 {strides = array<i32>} : memref<3136xf32, #tpu.memory_space<vmem>>, vector<16xf32>,
      }
      %scan3A_18 = arith.constant 196 : i32
      "tpu.region"() ({
        %run_scoped3A = tpu.sem_alloc : memref<!tpu.dma_semaphore, #tpu.memory_space<semaphore_mem>>
        %dma_start3A = arith.constant 0 : i32
        %dma_start3A_19 = tpu.memref_slice %arg6[%dma_start3A] : memref<3136xf32, #tpu.memory_space<vmem>> -> memref<3136xf32, #tpu.memory_space<vmem>>
        %dma_start3A_20 = tpu.memref_slice %arg5[%mul3A_13] : memref<100000xf32, #tpu.memory_space<hbm>> -> memref<3136xf32, #tpu.memory_space<hbm>>
        %dma_start3A_21 = tpu.memref_slice %arg5[%mul3A_13] : memref<100000xf32, #tpu.memory_space<hbm>> -> memref<3136xf32, #tpu.memory_space<hbm>>
        %dma_start3A_22 = arith.constant 0 : i32
        %dma_start3A_23 = tpu.memref_slice %arg6[%dma_start3A_22] : memref<3136xf32, #tpu.memory_space<vmem>> -> memref<3136xf32, #tpu.memory_space<vmem>>
        tpu.enqueue_dma source(%dma_start3A_23 : memref<3136xf32, #tpu.memory_space<vmem>>) target(%dma_start3A_21 : memref<3136xf32, #tpu.memory_space<hbm>>) target_semaphore(%run_scoped3A : memref<!tpu.dma_semaphore, #tpu.memory_space<semaphore_mem>>)
        %dma_wait3A = arith.constant 0 : i32
        %dma_wait3A_24 = tpu.memref_slice %arg6[%dma_wait3A] : memref<3136xf32, #tpu.memory_space<vmem>> -> memref<3136xf32, #tpu.memory_space<vmem>>
        %dma_wait3A_25 = tpu.memref_slice %arg5[%mul3A_13] : memref<100000xf32, #tpu.memory_space<hbm>> -> memref<3136xf32, #tpu.memory_space<hbm>>
        %dma_wait3A_26 = tpu.memref_slice %arg5[%mul3A_13] : memref<100000xf32, #tpu.memory_space<hbm>> -> memref<3136xf32, #tpu.memory_space<hbm>>
        %dma_wait3A_27 = arith.constant 0 : i32
        %dma_wait3A_28 = tpu.memref_slice %arg6[%dma_wait3A_27] : memref<3136xf32, #tpu.memory_space<vmem>> -> memref<3136xf32, #tpu.memory_space<vmem>>
        tpu.wait_dma2 semaphore(%run_scoped3A : memref<!tpu.dma_semaphore, #tpu.memory_space<semaphore_mem>>) src(%dma_wait3A_28 : memref<3136xf32, #tpu.memory_space<vmem>>) dst(%dma_wait3A_26 : memref<3136xf32, #tpu.memory_space<hbm>>)
        tpu.yield
      }) : () -> ()
    } else {
    }
    %eq3A = arith.constant 31 : i32
    %eq3A_8 = arith.cmpi eq, %add3A, %eq3A : i32
    %convert_element_type3A_9 = arith.extui %eq3A_8 : i1 to i32
    %cond3A_10 = arith.constant 0 : i32
    %cond3A_11 = arith.cmpi ne, %convert_element_type3A_9, %cond3A_10 : i32
    scf.if %cond3A_11 {
      "tpu.region"() ({
        %run_scoped3A = tpu.sem_alloc : memref<!tpu.dma_semaphore, #tpu.memory_space<semaphore_mem>>
        %dma_start3A = arith.constant 0 : i32
        %dma_start3A_17 = tpu.memref_slice %arg6[%dma_start3A] : memref<3136xf32, #tpu.memory_space<vmem>> -> memref<2784xf32, #tpu.memory_space<vmem>>
        %dma_start3A_18 = arith.constant 97216 : i32
        %dma_start3A_19 = tpu.memref_slice %arg2[%dma_start3A_18] : memref<100000xf32, #tpu.memory_space<hbm>> -> memref<2784xf32, #tpu.memory_space<hbm>>
        %dma_start3A_20 = arith.constant 0 : i32
        %dma_start3A_21 = tpu.memref_slice %arg6[%dma_start3A_20] : memref<3136xf32, #tpu.memory_space<vmem>> -> memref<2784xf32, #tpu.memory_space<vmem>>
        %dma_start3A_22 = arith.constant 97216 : i32
        %dma_start3A_23 = tpu.memref_slice %arg2[%dma_start3A_22] : memref<100000xf32, #tpu.memory_space<hbm>> -> memref<2784xf32, #tpu.memory_space<hbm>>
        tpu.enqueue_dma source(%dma_start3A_23 : memref<2784xf32, #tpu.memory_space<hbm>>) target(%dma_start3A_21 : memref<2784xf32, #tpu.memory_space<vmem>>) target_semaphore(%run_scoped3A : memref<!tpu.dma_semaphore, #tpu.memory_space<semaphore_mem>>)
        %dma_wait3A = arith.constant 0 : i32
        %dma_wait3A_24 = tpu.memref_slice %arg6[%dma_wait3A] : memref<3136xf32, #tpu.memory_space<vmem>> -> memref<2784xf32, #tpu.memory_space<vmem>>
        %dma_wait3A_25 = arith.constant 97216 : i32
        %dma_wait3A_26 = tpu.memref_slice %arg2[%dma_wait3A_25] : memref<100000xf32, #tpu.memory_space<hbm>> -> memref<2784xf32, #tpu.memory_space<hbm>>
        %dma_wait3A_27 = arith.constant 0 : i32
        %dma_wait3A_28 = tpu.memref_slice %arg6[%dma_wait3A_27] : memref<3136xf32, #tpu.memory_space<vmem>> -> memref<2784xf32, #tpu.memory_space<vmem>>
        %dma_wait3A_29 = arith.constant 97216 : i32
        %dma_wait3A_30 = tpu.memref_slice %arg2[%dma_wait3A_29] : memref<100000xf32, #tpu.memory_space<hbm>> -> memref<2784xf32, #tpu.memory_space<hbm>>
        tpu.wait_dma2 semaphore(%run_scoped3A : memref<!tpu.dma_semaphore, #tpu.memory_space<semaphore_mem>>) src(%dma_wait3A_30 : memref<2784xf32, #tpu.memory_space<hbm>>) dst(%dma_wait3A_28 : memref<2784xf32, #tpu.memory_space<vmem>>)
        tpu.yield
      }) : () -> ()
      %scan3A = arith.constant 0 : i32
      %scan3A_12 = arith.constant 0 : i32
      %scan3A_13 = arith.constant 174 : i32
      %scan3A_14 = arith.addi %scan3A_12, %scan3A_13 : i32
      %scan3A_15 = arith.constant 1 : i32
      scf.for %scan3A_17 = %scan3A_12 to %scan3A_14 step %scan3A_15  : i32 {
        %mul3A_18 = arith.constant 16 : i32
        %mul3A_19 = arith.muli %scan3A_17, %mul3A_18 : i32
        %get3A_20 = arith.index_cast %mul3A_19 : i32 to index
        %get3A_21 = tpu.vector_load %arg6[%get3A_20] {strides = array<i32>} : memref<3136xf32, #tpu.memory_space<vmem>>, vector<16xf32>,
        %get3A_22 = vector.shape_cast %get3A_21 : vector<16xf32> to vector<16xf32>
        %mul3A_23 = arith.mulf %get3A_2, %get3A_22 : vector<16xf32>
        %add3A_24 = arith.addf %mul3A_23, %get3A_5 : vector<16xf32>
        %swap3A = arith.index_cast %mul3A_19 : i32 to index
        %swap3A_25 = tpu.vector_load %arg6[%swap3A] {strides = array<i32>} : memref<3136xf32, #tpu.memory_space<vmem>>, vector<16xf32>,
        %swap3A_26 = vector.shape_cast %swap3A_25 : vector<16xf32> to vector<16xf32>
        %swap3A_27 = vector.shape_cast %add3A_24 : vector<16xf32> to vector<16xf32>
        tpu.vector_store %arg6[%swap3A], %swap3A_27 {strides = array<i32>} : memref<3136xf32, #tpu.memory_space<vmem>>, vector<16xf32>,
      }
      %scan3A_16 = arith.constant 174 : i32
      "tpu.region"() ({
        %run_scoped3A = tpu.sem_alloc : memref<!tpu.dma_semaphore, #tpu.memory_space<semaphore_mem>>
        %dma_start3A = arith.constant 0 : i32
        %dma_start3A_17 = tpu.memref_slice %arg6[%dma_start3A] : memref<3136xf32, #tpu.memory_space<vmem>> -> memref<2784xf32, #tpu.memory_space<vmem>>
        %dma_start3A_18 = arith.constant 97216 : i32
        %dma_start3A_19 = tpu.memref_slice %arg5[%dma_start3A_18] : memref<100000xf32, #tpu.memory_space<hbm>> -> memref<2784xf32, #tpu.memory_space<hbm>>
        %dma_start3A_20 = arith.constant 97216 : i32
        %dma_start3A_21 = tpu.memref_slice %arg5[%dma_start3A_20] : memref<100000xf32, #tpu.memory_space<hbm>> -> memref<2784xf32, #tpu.memory_space<hbm>>
        %dma_start3A_22 = arith.constant 0 : i32
        %dma_start3A_23 = tpu.memref_slice %arg6[%dma_start3A_22] : memref<3136xf32, #tpu.memory_space<vmem>> -> memref<2784xf32, #tpu.memory_space<vmem>>
        tpu.enqueue_dma source(%dma_start3A_23 : memref<2784xf32, #tpu.memory_space<vmem>>) target(%dma_start3A_21 : memref<2784xf32, #tpu.memory_space<hbm>>) target_semaphore(%run_scoped3A : memref<!tpu.dma_semaphore, #tpu.memory_space<semaphore_mem>>)
        %dma_wait3A = arith.constant 0 : i32
        %dma_wait3A_24 = tpu.memref_slice %arg6[%dma_wait3A] : memref<3136xf32, #tpu.memory_space<vmem>> -> memref<2784xf32, #tpu.memory_space<vmem>>
        %dma_wait3A_25 = arith.constant 97216 : i32
        %dma_wait3A_26 = tpu.memref_slice %arg5[%dma_wait3A_25] : memref<100000xf32, #tpu.memory_space<hbm>> -> memref<2784xf32, #tpu.memory_space<hbm>>
        %dma_wait3A_27 = arith.constant 97216 : i32
        %dma_wait3A_28 = tpu.memref_slice %arg5[%dma_wait3A_27] : memref<100000xf32, #tpu.memory_space<hbm>> -> memref<2784xf32, #tpu.memory_space<hbm>>
        %dma_wait3A_29 = arith.constant 0 : i32
        %dma_wait3A_30 = tpu.memref_slice %arg6[%dma_wait3A_29] : memref<3136xf32, #tpu.memory_space<vmem>> -> memref<2784xf32, #tpu.memory_space<vmem>>
        tpu.wait_dma2 semaphore(%run_scoped3A : memref<!tpu.dma_semaphore, #tpu.memory_space<semaphore_mem>>) src(%dma_wait3A_30 : memref<2784xf32, #tpu.memory_space<vmem>>) dst(%dma_wait3A_28 : memref<2784xf32, #tpu.memory_space<hbm>>)
        tpu.yield
      }) : () -> ()
    } else {
    }
    return
  }
}

</mosaic_0001>

<sc_bundles>
// kernel: _scale_shift.3.cloned.1.call-start
scs
__scs_entry_jumppad:
0x0: {  	(pc) =	sbr.rel $0x88, $3  }
0x1: {  	(tag) =	ssettag $0x0;
	lr =	simm.s32 $0x1  }
0x2: {  	[smem:$0x3F9E] =	sst lr;
	_ =	strace $0xD0000000  }
0x3: {  	_ = 	snop  }
0x4: {  	_ = 	snop  }
0x5: {  	_ = 	snop  }
0x6: {  	_ = 	snop  }
0x7: {  	_ = 	snop  }
__scs_overlays_trampoline_lowered:
0x8: {  	[smem:$0x3FAD] =	sst s0  }
0x9: {  	[smem:$0x3FAE] =	sst s1  }
0xa: {  	[smem:$0x3FAF] =	sst s2  }
0xb: {  	[smem:$0x3FB0] =	sst s3  }
0xc: {  	[smem:$0x3FB1] =	sst s4  }
0xd: {  	[smem:$0x3FB2] =	sst s5  }
0xe: {  	[smem:$0x3FB3] =	sst s6  }
0xf: {  	[smem:$0x3FB4] =	sst s7  }
0x10: {  	[smem:$0x3FB5] =	sst s8  }
0x11: {  	[smem:$0x3FB6] =	sst s9;
	s0 =	simm.s32 @!p0 $0x0  }
0x12: {  	s1 =	sld [smem:$0x3F9C];
	s0 =	simm.s32 @p0 $0x1  }
0x13: {  	[smem:$0x3FB7] =	sst s0;
	s0 =	simm.s32 @!p1 $0x0  }
0x14: {  	s2 =	sld [smem:$0x3F9B];
	s0 =	simm.s32 @p1 $0x1  }
0x15: {  	[smem:$0x3FB8] =	sst s0;
	s0 =	simm.s32 @!p2 $0x0  }
0x16: {  	s3 =	sld [smem:$0x3FDB];
	s0 =	simm.s32 @p2 $0x1  }
0x17: {  	s4 =	simm.s32 $0x1BF5;
	[smem:$0x3FBA] =	sst s0  }
0x18: {  	s0 =	sld [smem:$0x3F9D];
	_ =	swait.ge [sflag:s4], $0x0  }
0x19: {  	s7 =	sld [smem:$0x3F9E]  }
0x1a: {  	s8 =	sadd.s32 $0xFFFFE003, lr  }
0x1b: {  	s9 =	sadd.s32 $0xFFFFFEF7, lr;
	s5 =	simm.s32 $0xFFFFFFFF;
	p2 =	slt.u32 s8, $0xFFFFF086  }
0x1c: {  	p1 =	slt.u32 s9, $0xF7A;
	s5 =	simm.s32 @!p2 $0x0  }
0x1d: {  	s5 =	simm.s32 @p1 $0x1;
	p0 =	seq.s32 s7, s2  }
0x1e: {  	s7 =	smul.u32 @!p0 $0xF7A, s2;
	p2 =	seq.s32 @!p0 s5, $0x0  }
0x1f: {  	s9 =	smul.u32 $0xF7A, s1;
	s8 =	simm.s32 @!p0 $0x1BF5;
	p2 =	por !p2, p0  }
0x20: {  	[sflag:s8] =	ssyncset.s32 @!p0 $0xFFFFF086;
	s6 =	sadd.s32 @!p0 s3, s7;
	s7 =	simm.s32 @!p0 $0x108  }
0x21: {  	s3 =	sadd.s32 s3, s9;
	s6 =	sadd.s32 @!p0 $0x88, s6;
	s7 =	simm.s32 @p2 $0x1082  }
0x22: {  	[simem:s7], [sflag:s8] =	dma.local @!p0 [hbm:s6], $0xF7A  }
0x23: {  	s9 =	sor.u32 $0xD0000000, s2;
	s6 =	simm.s32 $0x108;
	_ =	swait.ge @!p0 [sflag:s8], $0x0  }
0x24: {  	s3 =	sadd.s32 $0x88, s3;
	s6 =	simm.s32 @!p1 $0x1082;
	[sflag:s4] =	ssyncset.s32 $0xFFFFF086  }
0x25: {  	[simem:s6], [sflag:s4] =	dma.local [hbm:s3], $0xF7A  }
0x26: {  	[smem:$0x3F9E] =	sst s1;
	(tag) =	ssettag s2;
	_ =	strace s9  }
0x27: {  	s1 =	sld [smem:$0x3FAE]  }
0x28: {  	s2 =	sld [smem:$0x3FAF]  }
0x29: {  	s4 =	sld [smem:$0x3FB1]  }
0x2a: {  	p0 =	seq.s32 s5, $0x0;
	s5 =	sld [smem:$0x3FB2]  }
0x2b: {  	s6 =	sld [smem:$0x3FB3]  }
0x2c: {  	s7 =	sld [smem:$0x3FB4]  }
0x2d: {  	s3 =	simm.s32 $0x108;
	s8 =	sld [smem:$0x3FB5]  }
0x2e: {  	s3 =	simm.s32 @!p0 $0x1082;
	s9 =	sld [smem:$0x3FB6]  }
0x2f: {  	lr =	sadd.s32 s0, s3;
	s0 =	sld [smem:$0x3FAD]  }
0x30: {  	s3 =	sld [smem:$0x3FB0]  }
0x31: {  	[smem:$0x3FB9] =	sst s10  }
0x32: {  	s10 =	sld [smem:$0x3FB7];
	_ =	sdelay $0x3  }
0x33: {  	p0 =	seq.s32 s10, $0x1;
	s10 =	sld [smem:$0x3FB9];
	_ =	sdelay $0x3  }
0x34: {  	[smem:$0x3FB9] =	sst s10  }
0x35: {  	s10 =	sld [smem:$0x3FB8];
	_ =	sdelay $0x3  }
0x36: {  	p1 =	seq.s32 s10, $0x1;
	s10 =	sld [smem:$0x3FB9];
	_ =	sdelay $0x3  }
0x37: {  	[smem:$0x3FB9] =	sst s10  }
0x38: {  	s10 =	sld [smem:$0x3FBA]  }
0x39: {  	_ = 	snop;
	(pc) =	sbr.ind lr, $3  }
0x3a: {  	_ = 	snop  }
0x3b: {  	_ = 	snop  }
0x3c: {  	p2 =	seq.s32 s10, $0x1;
	s10 =	sld [smem:$0x3FB9]  }
0x3d: {  	_ =	shalt  }
0x3e: {  	_ =	shalt  }
0x3f: {  	_ =	shalt  }
0x40: {  	_ =	shalt  }
0x41: {  	_ =	shalt  }
0x42: {  	_ =	shalt  }
0x43: {  	_ =	shalt  }
0x44: {  	_ =	shalt  }
0x45: {  	_ =	shalt  }
0x46: {  	_ =	shalt  }
0x47: {  	_ =	shalt  }
0x48: {  	_ =	shalt  }
0x49: {  	_ =	shalt  }
0x4a: {  	_ =	shalt  }
0x4b: {  	_ =	shalt  }
0x4c: {  	_ =	shalt  }
0x4d: {  	_ =	shalt  }
0x4e: {  	_ =	shalt  }
0x4f: {  	_ =	shalt  }
0x50: {  	_ =	shalt  }
0x51: {  	_ =	shalt  }
0x52: {  	_ =	shalt  }
0x53: {  	_ =	shalt  }
0x54: {  	_ =	shalt  }
0x55: {  	_ =	shalt  }
0x56: {  	_ =	shalt  }
0x57: {  	_ =	shalt  }
0x58: {  	_ =	shalt  }
0x59: {  	_ =	shalt  }
0x5a: {  	_ =	shalt  }
0x5b: {  	_ =	shalt  }
0x5c: {  	_ =	shalt  }
0x5d: {  	_ =	shalt  }
0x5e: {  	_ =	shalt  }
0x5f: {  	_ =	shalt  }
0x60: {  	_ =	shalt  }
0x61: {  	_ =	shalt  }
0x62: {  	_ =	shalt  }
0x63: {  	_ =	shalt  }
0x64: {  	_ =	shalt  }
0x65: {  	_ =	shalt  }
0x66: {  	_ =	shalt  }
0x67: {  	_ =	shalt  }
0x68: {  	_ =	shalt  }
0x69: {  	_ =	shalt  }
0x6a: {  	_ =	shalt  }
0x6b: {  	_ =	shalt  }
0x6c: {  	_ =	shalt  }
0x6d: {  	_ =	shalt  }
0x6e: {  	_ =	shalt  }
0x6f: {  	_ =	shalt  }
0x70: {  	_ =	shalt  }
0x71: {  	_ =	shalt  }
0x72: {  	_ =	shalt  }
0x73: {  	_ =	shalt  }
0x74: {  	_ =	shalt  }
0x75: {  	_ =	shalt  }
0x76: {  	_ =	shalt  }
0x77: {  	_ =	shalt  }
0x78: {  	_ =	shalt  }
0x79: {  	_ =	shalt  }
0x7a: {  	_ =	shalt  }
0x7b: {  	_ =	shalt  }
0x7c: {  	_ =	shalt  }
0x7d: {  	_ =	shalt  }
0x7e: {  	_ =	shalt  }
0x7f: {  	_ =	shalt  }
0x80: {  	_ =	shalt  }
0x81: {  	_ =	shalt  }
0x82: {  	_ =	shalt  }
0x83: {  	_ =	shalt  }
0x84: {  	_ =	shalt  }
0x85: {  	_ =	shalt  }
0x86: {  	_ =	shalt  }
0x87: {  	_ =	shalt  }
.Lfunc_end0:
.L_simem_size_0:
called_computation_lowered:
.L_overlay_start_0:
0x88: {  	s2 =	sld [smem:$0x3FD9]  }
0x89: {  	s3 =	sld [smem:$0x3FFE];
	_ =	sdelay $0x1  }
0x8a: {  	s1 =	srdreg.scid  }
0x8b: {  	s0 =	sand.u32 $0x1, s1  }
0x8c: {  	s18 =	sshll.u32 s0, $0xA;
	s2 =	sadd.s32 s3, s2  }
0x8d: {  	s2 =	sadd.s32 s2, s18  }
0x8e: {  	[smem:$0x3FC5] =	sst s2  }
0x8f: {  	_ = 	snop  }
0x90: {  	s2 =	sld [smem:$0x3FC9]  }
0x91: {  	s19 =	sld [smem:$0x3FC8]  }
0x92: {  	s4 =	sld [smem:$0x3FC7]  }
0x93: {  	s5 =	sld [smem:$0x3FD0];
	(tm) =	ssettm $0x1  }
0x94: {  	s6 =	sld [smem:$0x3FFB];
	_ =	sdelay $0x3  }
0x95: {  	_ =	strace s6  }
0x96: {  	s6 =	sld [smem:$0x3FFC];
	_ =	sdelay $0x3  }
0x97: {  	_ =	strace s6  }
0x98: {  	s6 =	sld [smem:$0x3FFD];
	_ =	sdelay $0x3  }
0x99: {  	_ =	strace s6  }
0x9a: {  	_ =	strace $0x8FFFFFFF  }
0x9b: {  	s20 =	sld [smem:$0x3FDB];
	_ =	sdelay $0x1  }
0x9c: {  	s7 =	simm.s32 $_scs_section_size  }
0x9d: {  	s8 =	simm.s32 $_size__tile_overlayer_lowered;
	s9 =	simm.s32 $_tile_overlayer_lowered  }
0x9e: {  	s23 =	simm.s32 $0x1BFF;
	s22 =	sshll.u32 s9, $0x1;
	s6 =	sadd.s32 s7, s20  }
0x9f: {  	s10 =	simm.s32 $0x0;
	s21 =	sshll.u32 s8, $0x1;
	s8 =	sadd.s32 s22, s6  }
0xa0: {  	[timem:s10], [sflag:s23] =	dma.local [hbm:s8], s21  }
0xa1: {  	_ =	swait.ge [sflag:s23], s21  }
0xa2: {  	s7 =	ssub.s32 $0x0, s21;
	[sflag:s23] =	ssyncset.done $0x0  }
0xa3: {  	[sflag:s23] =	ssyncadd.s32 s7;
	_ =	sdelay $0x1  }
0xa4: {  	s24 =	simm.s32 $0x1B8B  }
0xa5: {  	_ =	swait.ge [sflag:s24], $0x1  }
0xa6: {  	[sflag:s24] =	ssyncset.done $0x0  }
0xa7: {  	s25 =	simm.s32 $0x1B8E;
	[sflag:s24] =	ssyncadd.s32 $0xFFFFFFFF  }
0xa8: {  	s26 =	simm.s32 $execute0_lowered;
	[smem:$0x3FD2] =	sst s25  }
0xa9: {  	s7 =	sshll.u32 s26, $0x1;
	_ =	strace $0x80000046;
	[dreg:$0x1] =	wrdreg $0xFFFFFFFF  }
0xaa: {  	s28 =	simm.s32 $_size_execute0_lowered;
	s6 =	sadd.s32 s6, s7;
	[dreg:$0x0] =	wrdreg $0x0  }
0xab: {  	s7 =	sshll.u32 s28, $0x1;
	[dreg:$0x2] =	wrdreg s6  }
0xac: {  	[dreg:$0x3] =	wrdreg s7  }
0xad: {  	[dreg:$0x4] =	wrdreg $0xC0  }
0xae: {  	_ =	task [dreg:s10], $0x5FFFF  }
0xaf: {  	[dreg:$0x1] =	wrdreg $0xFFFFFFFF  }
0xb0: {  	[dreg:$0x0] =	wrdreg $0x60  }
0xb1: {  	[dreg:$0x2] =	wrdreg s2  }
0xb2: {  	[dreg:$0x3] =	wrdreg s19  }
0xb3: {  	[dreg:$0x4] =	wrdreg s4  }
0xb4: {  	[dreg:$0x5] =	wrdreg s5  }
0xb5: {  	[dreg:$0x6] =	wrdreg $0x9  }
0xb6: {  	_ =	task.clear_ibuf [dreg:s10], $0x7FFFF;
	_ =	strace $0x90000046  }
0xb7: {  	s29 =	simm.s32 $0x9;
	_ =	strace $0x80000048  }
0xb8: {  	_ =	swait.ge [sflag:s29], $0x1  }
0xb9: {  	[sflag:s29] =	ssyncadd.s32 $0xFFFFFFFF  }
0xba: {  	_ =	strace $0x90000048  }
0xbb: {  	_ =	sfence  }
0xbc: {  	s30 =	sld [smem:$0x0];
	_ =	sdelay $0x2  }
0xbd: {  	s31 =	sshll.u32 s1, $0xD;
	s1 =	sshrl.u32 s1, $0x2  }
0xbe: {  	s3 =	sand.u32 $0x4000, s31;
	s1 =	sadd.s32 s1, s30  }
0xbf: {  	s0 =	sor.u32 s3, s0;
	s1 =	sshll.u32 s1, $0x11  }
0xc0: {  	s0 =	sor.u32 s1, s0  }
0xc1: {  	s0 =	sadd.s32 $0x8F2B, s0  }
0xc2: {  	[sflag:s0] =	ssyncadd.remote.s32 $0x1  }
0xc3: {  	_ =	sfence.sel $0xFFFF  }
0xc4: {  	[dreg:$0x0] =	wrdreg $0xFFFFFFFF;
	(pc) =	sbr.abs _section_cstart, $3  }
0xc5: {  	[dreg:$0x1] =	wrdreg $0xFFFFFFFF  }
0xc6: {  	_ =	task.clear_ibuf [dreg:s10], $0x2FFFF;
	_ =	strace $0x9FFFFFFF  }
0xc7: {  	(tm) =	ssettm $0x7FFFFFFF  }
tec
execute0_lowered:
.L_overlay_start_1:
0x0: {  	(tag) =	ssettag $0x1  }
0x1: {  	s7 =	rddreg [dreg:$0x0]  }
0x2: {  	s1 =	rddreg [dreg:$0x1]  }
0x3: {  	s3 =	rddreg [dreg:$0x2];
	s2 =	srdreg.scid  }
0x4: {  	s0 =	stileid.u32;
	s8 =	rddreg [dreg:$0x3];
	s11 =	simm.s32 $0x1  }
0x5: {  	s12 =	simm.s32 $0xD00;
	s5 =	sand.u32 $0x1, s2;
	s4 =	sshll.u32 s0, $0x1  }
0x6: {  	s13 =	simm.s32 $0x0;
	s2 =	rddreg [dreg:$0x4];
	s10 =	sor.u32 s5, s4  }
.Ltmp0:
0x7: {  	s4 =	simm.s32 $0x0;
	s5 =	ssub.s32 $0x2, s5;
	(pc) =	sbr.rel .LBB2_1-.Ltmp0, $4  }
0x8: {  	s6 =	smul.u32 $0x188, s10;
	[smem:$0x7FF] =	sst s4;
	s9 =	sshrl.u32 s5, $0x1  }
0x9: {  	p0 =	seq.s32 s10, $0x1F;
	s10 =	simm.s32 $0xC80;
	_ =	strace $0x80000047  }
0xa: {  	s9 =	ssub.s32 s5, s9;
	s5 =	sadd.s32 s7, s6;
	s6 =	sadd.s32 s8, s6  }
0xb: {  	s7 =	sadd.s32 $0x2F78, s7;
	s8 =	sadd.s32 $0x2F78, s8;
	s9 =	smax.u32 s9, $0x1  }
.LBB2_7:
0xc: {  	v2 =	vld [tilespmem:s14+$0x0];
	_ =	sdelay $0x4  }
0xd: {  	v1 =	vmul.f32 v2, v1;
	_ =	sdelay $0x1  }
0xe: {  	v0 =	vadd.f32 v1, v0;
	_ =	sdelay $0x1  }
0xf: {  	[tilespmem:s14+$0x0] =	vst v0  }
0x10: {  	[hbm4b:s8+s4] =	stream.linear.scatter [tilespmem:s4], [sflag:$0x1], $0xAE0, $0x38;
	[tilespmem:$0xD80] =	vst v63  }
0x11: {  	_ =	swait.ge [sflag:s11], $0xAE0  }
0x12: {  	[sflag:s11] =	ssyncset.done $0x0  }
0x13: {  	[sflag:s11] =	ssyncadd.s32 $0xFFFFF520  }
.LBB2_8:
0x14: {  	s13 =	sadd.s32 $0x1, s13  }
0x15: {  	p1 =	sne.s32 s13, s9  }
.Ltmp1:
0x16: {  	_ = 	snop;
	(pc) =	sbr.rel @!p1 .LBB2_9-.Ltmp1, $1  }
0x17: {  	_ =	sdelay $0x3  }
.LBB2_1:
0x18: {  	[tilespmem:s10], [sflag:$0x1] =	stream.linear.gather [hbm4b:s1+s4], $0x80, $0x38;
	[tilespmem:$0xD80] =	vst v63  }
0x19: {  	_ =	swait.ge [sflag:s11], $0x80  }
0x1a: {  	[sflag:s11] =	ssyncset.done $0x0  }
0x1b: {  	[sflag:s11] =	ssyncadd.s32 $0xFFFFFF80  }
0x1c: {  	[tilespmem:s12], [sflag:$0x1] =	stream.linear.gather [hbm4b:s3+s4], $0x80, $0x38;
	[tilespmem:$0xD80] =	vst v63  }
.Ltmp2:
0x1d: {  	_ =	swait.ge [sflag:s11], $0x80;
	(pc) =	sbr.rel @!p0 .LBB2_2-.Ltmp2, $4  }
0x1e: {  	[sflag:s11] =	ssyncset.done $0x0  }
0x1f: {  	[sflag:s11] =	ssyncadd.s32 $0xFFFFFF80  }
0x20: {  	v1 =	vld [tilespmem:$0xC80]  }
0x21: {  	s14 =	simm.s32 $0x0;
	v0 =	vld [tilespmem:$0xD00]  }
0x22: {  	[tilespmem:s14], [sflag:$0x1] =	stream.linear.gather [hbm4b:s7+s14], $0xAE0, $0x38;
	[tilespmem:$0xD80] =	vst v63  }
0x23: {  	_ =	swait.ge [sflag:s11], $0xAE0  }
0x24: {  	[sflag:s11] =	ssyncset.done $0x0  }
0x25: {  	s14 =	simm.s32 $0x0;
	s15 =	simm.s32 $0x40;
	[sflag:s11] =	ssyncadd.s32 $0xFFFFF520  }
.LBB2_6:
0x26: {  	p1 =	sne.s32 s15, $0x2B40;
	v2 =	vld [tilespmem:s14+$0x0];
	_ =	sdelay $0x4  }
.Ltmp3:
0x27: {  	v2 =	vmul.f32 v2, v1;
	(pc) =	sbr.rel @p1 .LBB2_6-.Ltmp3, $3  }
0x28: {  	_ = 	snop  }
0x29: {  	v2 =	vadd.f32 v2, v0;
	_ =	sdelay $0x1  }
0x2a: {  	[tilespmem:s14+$0x0] =	vst v2;
	s14 =	sshra.s32 s15, $0x2;
	s15 =	sadd.s32 $0x40, s15  }
.Ltmp4:
0x2b: {  	_ = 	snop;
	(pc) =	sbr.rel .LBB2_7-.Ltmp4, $1  }
0x2c: {  	_ =	sdelay $0x3  }
.LBB2_2:
0x2d: {  	[tilespmem:s14], [sflag:$0x1] =	stream.linear.gather [hbm4b:s5+s14], $0xC40, $0x38;
	[tilespmem:$0xD80] =	vst v63  }
0x2e: {  	_ =	swait.ge [sflag:s11], $0xC40  }
0x2f: {  	[sflag:s11] =	ssyncset.done $0x0  }
0x30: {  	s14 =	simm.s32 $0x0;
	s15 =	simm.s32 $0x40;
	[sflag:s11] =	ssyncadd.s32 $0xFFFFF3C0  }
.LBB2_3:
0x31: {  	p1 =	sne.s32 s15, $0x30C0;
	v2 =	vld [tilespmem:s14+$0x0];
	_ =	sdelay $0x4  }
.Ltmp5:
0x32: {  	v2 =	vmul.f32 v2, v1;
	(pc) =	sbr.rel @p1 .LBB2_3-.Ltmp5, $3  }
0x33: {  	_ = 	snop  }
0x34: {  	v2 =	vadd.f32 v2, v0;
	_ =	sdelay $0x1  }
0x35: {  	[tilespmem:s14+$0x0] =	vst v2;
	s14 =	sshra.s32 s15, $0x2;
	s15 =	sadd.s32 $0x40, s15  }
0x36: {  	v2 =	vld [tilespmem:s14+$0x0];
	_ =	sdelay $0x4  }
0x37: {  	v1 =	vmul.f32 v2, v1;
	_ =	sdelay $0x1  }
0x38: {  	v0 =	vadd.f32 v1, v0;
	_ =	sdelay $0x1  }
.Ltmp6:
0x39: {  	[tilespmem:s14+$0x0] =	vst v0;
	(pc) =	sbr.rel .LBB2_8-.Ltmp6, $4  }
0x3a: {  	[hbm4b:s6+s4] =	stream.linear.scatter [tilespmem:s4], [sflag:$0x1], $0xC40, $0x38;
	[tilespmem:$0xD80] =	vst v63  }
0x3b: {  	_ =	swait.ge [sflag:s11], $0xC40  }
0x3c: {  	[sflag:s11] =	ssyncset.done $0x0  }
0x3d: {  	[sflag:s11] =	ssyncadd.s32 $0xFFFFF3C0  }
.LBB2_9:
0x3e: {  	_ =	sfence.sel $0x180000  }
0x3f: {  	[bflag:$0x0] =	sbarrier.arrive $0xFFFF  }
0x40: {  	p0 =	sne.s32 s0, $0x0;
	_ =	strace $0x90000047  }
0x41: {  	s0 =	sadd.s32 @!p0 $0x100000, s2;
	[bflag:$0x2] =	sbarrier.arrive $0xFFFF  }
0x42: {  	[sflag:s0] =	ssyncadd.tile.s32 @!p0 $0x1;
	_ =	shalt  }
.Lfunc_end2:
_tile_overlayer_lowered:
.L_overlay_start_2:
0x43: {  	(tag) =	ssettag $0x2  }
0x44: {  	s0 =	rddreg [dreg:$0x0];
	s2 =	stileid.u32  }
0x45: {  	s1 =	rddreg [dreg:$0x1];
	p0 =	sne.s32 s2, $0x0  }
0x46: {  	s3 =	rddreg [dreg:$0x2];
	[bflag:$0x3] =	sbarrier.arrive $0xFFFF;
	s2 =	simm.s32 @!p0 $0x1C01  }
0x47: {  	[timem:s3], [sflag:s2] =	dma.local @!p0 [hbm:s0], s1  }
0x48: {  	s0 =	simm.s32 @!p0 $0x1  }
0x49: {  	_ =	swait.ge @!p0 [sflag:s0], s1  }
0x4a: {  	s1 =	ssub.s32 @!p0 $0x0, s1;
	[sflag:s0] =	ssyncset.done @!p0 $0x0  }
0x4b: {  	[sflag:s0] =	ssyncadd.s32 @!p0 s1  }
0x4c: {  	[bflag:$0x3] =	sbarrier.arrive $0xFFFF  }
0x4d: {  	_ =	shalt  }

</sc_bundles>
